<compile_context>
chip_gen: v7x
topology: tpu7x:2x2x1
jax: 0.10.2.dev20260603
libtpu: 0.0.44.dev20260713+nightly
codegen_flags: <defaults>
</compile_context>

<pallas_src>
import functools

import jax
import jax.numpy as jnp
from jax import lax
from jax.experimental import pallas as pl
from jax.experimental.pallas import tpu as pltpu
from jax.experimental.pallas import tpu_sc as plsc

_NC = 2
_NS = 16
_NW = _NC * _NS

_CHUNK = 128
_NBUF = 5
_K = 3


def _gather_rows(idx_flat, table):
    n = idx_flat.shape[0]
    d = table.shape[1]
    per_w = n // _NW
    nchunks = per_w // _CHUNK
    n_outer = nchunks // _NBUF

    mesh = plsc.VectorSubcoreMesh(core_axis_name="c", subcore_axis_name="s")

    @functools.partial(
        pl.kernel,
        out_type=jax.ShapeDtypeStruct((n, d), jnp.float32),
        mesh=mesh,
        scratch_types=[
            pltpu.VMEM((per_w,), jnp.int32),
            [pltpu.VMEM((_CHUNK, d), jnp.float32) for _ in range(_NBUF)],
            [pltpu.SemaphoreType.DMA for _ in range(_NBUF)],
            [pltpu.SemaphoreType.DMA for _ in range(_NBUF)],
        ],
    )
    def body(idx_hbm, table_hbm, out_hbm, idx_all, rows, gsem, ssem):
        wid = lax.axis_index("s") * _NC + lax.axis_index("c")
        base = wid * per_w

        pltpu.sync_copy(idx_hbm.at[pl.ds(base, per_w)], idx_all)

        def fire(c, b):
            idx_ref = idx_all.at[pl.ds(c * _CHUNK, _CHUNK)]
            pltpu.async_copy(table_hbm.at[idx_ref], rows[b], gsem[b])

        def wait_gather(b):
            pltpu.make_async_copy(
                table_hbm.at[pl.ds(0, _CHUNK)], rows[b], gsem[b]
            ).wait()

        def wait_scatter(b):
            pltpu.make_async_copy(
                rows[b], out_hbm.at[pl.ds(0, _CHUNK)], ssem[b]
            ).wait()

        for c in range(_K):
            fire(c, c % _NBUF)

        def outer(go, carry):
            for b in range(_NBUF):
                g = go * _NBUF + b
                c = g + _K
                bf = (b + _K) % _NBUF

                @pl.when(g < nchunks - _K)
                def _():
                    @pl.when(g >= _NBUF - _K)
                    def _():
                        wait_scatter(bf)

                    fire(c, bf)

                wait_gather(b)
                pltpu.async_copy(
                    rows[b], out_hbm.at[pl.ds(base + g * _CHUNK, _CHUNK)], ssem[b]
                )

            return carry

        lax.fori_loop(0, n_outer, outer, 0)

        for b in range(_NBUF):
            wait_scatter(b)

    return body(idx_flat, table)


def kernel(input_ids, embedding_table):
    b, h = input_ids.shape
    idx_flat = input_ids.reshape(-1).astype(jnp.int32)
    out = _gather_rows(idx_flat, embedding_table)
    return out.reshape(b, h, embedding_table.shape[1])

# --- scband reference (transcript-rebuilt; emitter-appended) ---
"""Pipeline reference for scband-glove-embedding-49486613185315 (READ-ONLY COPY).

The authoritative reference and input builder live on the scoring server;
editing this copy changes nothing except your own understanding.
"""

import jax, jax.numpy as jnp
import numpy as np

VOCAB_SIZE = 100000
EMBED_DIM = 128
BATCH = 4096
HIST_LEN = 200

def setup_inputs(seed: int = 0) -> dict:
    key = jax.random.key(seed)
    k_idx, k_tab = jax.random.split(key)
    input_ids = jax.random.randint(k_idx, (BATCH, HIST_LEN), 0, VOCAB_SIZE, dtype=jnp.int64 if jax.config.jax_enable_x64 else jnp.int32)
    # Embedding table: original code inits N(-1, 1) then overwrites rows found in GloVe;
    # we model it as a dense learned table of the same shape.
    embedding_table = jax.random.normal(k_tab, (VOCAB_SIZE, EMBED_DIM), dtype=jnp.float32) - 1.0
    return {"input_ids": input_ids, "embedding_table": embedding_table}

def reference(input_ids, embedding_table):
    # nn.Embedding forward == row gather from the table
    return jnp.take(embedding_table, input_ids, axis=0)

if __name__ == "__main__":
    import jax
    _d = setup_inputs()
    print(jax.jit(kernel)(*tuple(_d.values())))

</pallas_src>

<mosaic_0001>
#map = affine_map<(d0, d1) -> (0)>
#map1 = affine_map<(d0, d1) -> (0, 0)>
module attributes {stable_mosaic.version = 14 : i64} {
  func.func @body(%arg0: i32, %arg1: i32, %arg2: memref<819200xi32, #tpu.memory_space<hbm>>, %arg3: memref<100000x128xf32, #tpu.memory_space<hbm>>, %arg4: memref<819200x128xf32, #tpu.memory_space<hbm>>, %arg5: memref<25600xi32, #tpu.memory_space<vmem>>, %arg6: memref<128x128xf32, #tpu.memory_space<vmem>>, %arg7: memref<128x128xf32, #tpu.memory_space<vmem>>, %arg8: memref<128x128xf32, #tpu.memory_space<vmem>>, %arg9: memref<128x128xf32, #tpu.memory_space<vmem>>, %arg10: memref<128x128xf32, #tpu.memory_space<vmem>>, %arg11: memref<!tpu.dma_semaphore, #tpu.memory_space<semaphore_mem>>, %arg12: memref<!tpu.dma_semaphore, #tpu.memory_space<semaphore_mem>>, %arg13: memref<!tpu.dma_semaphore, #tpu.memory_space<semaphore_mem>>, %arg14: memref<!tpu.dma_semaphore, #tpu.memory_space<semaphore_mem>>, %arg15: memref<!tpu.dma_semaphore, #tpu.memory_space<semaphore_mem>>, %arg16: memref<!tpu.dma_semaphore, #tpu.memory_space<semaphore_mem>>, %arg17: memref<!tpu.dma_semaphore, #tpu.memory_space<semaphore_mem>>, %arg18: memref<!tpu.dma_semaphore, #tpu.memory_space<semaphore_mem>>, %arg19: memref<!tpu.dma_semaphore, #tpu.memory_space<semaphore_mem>>, %arg20: memref<!tpu.dma_semaphore, #tpu.memory_space<semaphore_mem>>) attributes {dimension_semantics = [#tpu.dimension_semantics<core_parallel>, #tpu.dimension_semantics<subcore_parallel>], iteration_bounds = array<i64: 2, 16>, scalar_prefetch = 0 : i64, scratch_operands = 16 : i64, tpu.core_type = #tpu.core_type<sc_vector_subcore>, window_params = [{transform_indices = #map}, {transform_indices = #map1}, {transform_indices = #map1}]} {
    %mul3A = arith.constant 2 : i32
    %mul3A_0 = arith.muli %arg1, %mul3A : i32
    %add3A = arith.addi %mul3A_0, %arg0 : i32
    %mul3A_1 = arith.constant 25600 : i32
    %mul3A_2 = arith.muli %add3A, %mul3A_1 : i32
    "tpu.region"() ({
      %run_scoped3A = tpu.sem_alloc : memref<!tpu.dma_semaphore, #tpu.memory_space<semaphore_mem>>
      %dma_start3A_51 = tpu.memref_slice %arg2[%mul3A_2] : memref<819200xi32, #tpu.memory_space<hbm>> -> memref<25600xi32, #tpu.memory_space<hbm>>
      %dma_start3A_52 = tpu.memref_slice %arg2[%mul3A_2] : memref<819200xi32, #tpu.memory_space<hbm>> -> memref<25600xi32, #tpu.memory_space<hbm>>
      tpu.enqueue_dma source(%dma_start3A_52 : memref<25600xi32, #tpu.memory_space<hbm>>) target(%arg5 : memref<25600xi32, #tpu.memory_space<vmem>>) target_semaphore(%run_scoped3A : memref<!tpu.dma_semaphore, #tpu.memory_space<semaphore_mem>>)
      %dma_wait3A_53 = tpu.memref_slice %arg2[%mul3A_2] : memref<819200xi32, #tpu.memory_space<hbm>> -> memref<25600xi32, #tpu.memory_space<hbm>>
      %dma_wait3A_54 = tpu.memref_slice %arg2[%mul3A_2] : memref<819200xi32, #tpu.memory_space<hbm>> -> memref<25600xi32, #tpu.memory_space<hbm>>
      tpu.wait_dma2 semaphore(%run_scoped3A : memref<!tpu.dma_semaphore, #tpu.memory_space<semaphore_mem>>) src(%dma_wait3A_54 : memref<25600xi32, #tpu.memory_space<hbm>>) dst(%arg5 : memref<25600xi32, #tpu.memory_space<vmem>>)
      tpu.yield
    }) : () -> ()
    %dma_start3A = arith.constant 0 : i32
    %dma_start3A_3 = tpu.memref_slice %arg5[%dma_start3A] : memref<25600xi32, #tpu.memory_space<vmem>> -> memref<128xi32, #tpu.memory_space<vmem>>
    %dma_start3A_4 = arith.constant 0 : i32
    %dma_start3A_5 = arith.constant 0 : i32
    %dma_start3A_6 = tpu.memref_slice %arg3[%dma_start3A_4, %dma_start3A_5] : memref<100000x128xf32, #tpu.memory_space<hbm>> -> memref<100000x128xf32, #tpu.memory_space<hbm>>
    tpu.enqueue_indirect_dma source(%dma_start3A_6 : memref<100000x128xf32, #tpu.memory_space<hbm>>) target(%arg6 : memref<128x128xf32, #tpu.memory_space<vmem>>) offsets(%dma_start3A_3 : memref<128xi32, #tpu.memory_space<vmem>>) semaphore(%arg11 : memref<!tpu.dma_semaphore, #tpu.memory_space<semaphore_mem>>)
    %dma_start3A_7 = arith.constant 128 : i32
    %dma_start3A_8 = tpu.memref_slice %arg5[%dma_start3A_7] : memref<25600xi32, #tpu.memory_space<vmem>> -> memref<128xi32, #tpu.memory_space<vmem>>
    %dma_start3A_9 = arith.constant 0 : i32
    %dma_start3A_10 = arith.constant 0 : i32
    %dma_start3A_11 = tpu.memref_slice %arg3[%dma_start3A_9, %dma_start3A_10] : memref<100000x128xf32, #tpu.memory_space<hbm>> -> memref<100000x128xf32, #tpu.memory_space<hbm>>
    tpu.enqueue_indirect_dma source(%dma_start3A_11 : memref<100000x128xf32, #tpu.memory_space<hbm>>) target(%arg7 : memref<128x128xf32, #tpu.memory_space<vmem>>) offsets(%dma_start3A_8 : memref<128xi32, #tpu.memory_space<vmem>>) semaphore(%arg12 : memref<!tpu.dma_semaphore, #tpu.memory_space<semaphore_mem>>)
    %dma_start3A_12 = arith.constant 256 : i32
    %dma_start3A_13 = tpu.memref_slice %arg5[%dma_start3A_12] : memref<25600xi32, #tpu.memory_space<vmem>> -> memref<128xi32, #tpu.memory_space<vmem>>
    %dma_start3A_14 = arith.constant 0 : i32
    %dma_start3A_15 = arith.constant 0 : i32
    %dma_start3A_16 = tpu.memref_slice %arg3[%dma_start3A_14, %dma_start3A_15] : memref<100000x128xf32, #tpu.memory_space<hbm>> -> memref<100000x128xf32, #tpu.memory_space<hbm>>
    tpu.enqueue_indirect_dma source(%dma_start3A_16 : memref<100000x128xf32, #tpu.memory_space<hbm>>) target(%arg8 : memref<128x128xf32, #tpu.memory_space<vmem>>) offsets(%dma_start3A_13 : memref<128xi32, #tpu.memory_space<vmem>>) semaphore(%arg13 : memref<!tpu.dma_semaphore, #tpu.memory_space<semaphore_mem>>)
    %scan3A = arith.constant 0 : i32
    %scan3A_17 = arith.constant 0 : i32
    %scan3A_18 = arith.constant 40 : i32
    %scan3A_19 = arith.addi %scan3A_17, %scan3A_18 : i32
    %scan3A_20 = arith.constant 1 : i32
    scf.for %scan3A_51 = %scan3A_17 to %scan3A_19 step %scan3A_20  : i32 {
      %mul3A_52 = arith.constant 5 : i32
      %mul3A_53 = arith.muli %scan3A_51, %mul3A_52 : i32
      %add3A_54 = arith.constant 0 : i32
      %add3A_55 = arith.addi %mul3A_53, %add3A_54 : i32
      %add3A_56 = arith.constant 3 : i32
      %add3A_57 = arith.addi %add3A_55, %add3A_56 : i32
      %lt3A = arith.constant 197 : i32
      %lt3A_58 = arith.cmpi slt, %add3A_55, %lt3A : i32
      %convert_element_type3A = arith.extui %lt3A_58 : i1 to i32
      %cond3A = arith.constant 0 : i32
      %cond3A_59 = arith.cmpi ne, %convert_element_type3A, %cond3A : i32
      scf.if %cond3A_59 {
        %ge3A = arith.constant 2 : i32
        %ge3A_169 = arith.cmpi sge, %add3A_55, %ge3A : i32
        %convert_element_type3A_170 = arith.extui %ge3A_169 : i1 to i32
        %cond3A_171 = arith.constant 0 : i32
        %cond3A_172 = arith.cmpi ne, %convert_element_type3A_170, %cond3A_171 : i32
        scf.if %cond3A_172 {
          %dma_wait3A_179 = arith.constant 0 : i32
          %dma_wait3A_180 = arith.constant 0 : i32
          %dma_wait3A_181 = tpu.memref_slice %arg4[%dma_wait3A_179, %dma_wait3A_180] : memref<819200x128xf32, #tpu.memory_space<hbm>> -> memref<128x128xf32, #tpu.memory_space<hbm>>
          %dma_wait3A_182 = arith.constant 0 : i32
          %dma_wait3A_183 = arith.constant 0 : i32
          %dma_wait3A_184 = tpu.memref_slice %arg4[%dma_wait3A_182, %dma_wait3A_183] : memref<819200x128xf32, #tpu.memory_space<hbm>> -> memref<128x128xf32, #tpu.memory_space<hbm>>
          tpu.wait_dma2 semaphore(%arg19 : memref<!tpu.dma_semaphore, #tpu.memory_space<semaphore_mem>>) src(%arg9 : memref<128x128xf32, #tpu.memory_space<vmem>>) dst(%dma_wait3A_184 : memref<128x128xf32, #tpu.memory_space<hbm>>)
        } else {
        }
        %mul3A_173 = arith.constant 128 : i32
        %mul3A_174 = arith.muli %add3A_57, %mul3A_173 : i32
        %dma_start3A_175 = tpu.memref_slice %arg5[%mul3A_174] : memref<25600xi32, #tpu.memory_space<vmem>> -> memref<128xi32, #tpu.memory_space<vmem>>
        %dma_start3A_176 = arith.constant 0 : i32
        %dma_start3A_177 = arith.constant 0 : i32
        %dma_start3A_178 = tpu.memref_slice %arg3[%dma_start3A_176, %dma_start3A_177] : memref<100000x128xf32, #tpu.memory_space<hbm>> -> memref<100000x128xf32, #tpu.memory_space<hbm>>
        tpu.enqueue_indirect_dma source(%dma_start3A_178 : memref<100000x128xf32, #tpu.memory_space<hbm>>) target(%arg9 : memref<128x128xf32, #tpu.memory_space<vmem>>) offsets(%dma_start3A_175 : memref<128xi32, #tpu.memory_space<vmem>>) semaphore(%arg14 : memref<!tpu.dma_semaphore, #tpu.memory_space<semaphore_mem>>)
      } else {
      }
      %dma_wait3A_60 = arith.constant 0 : i32
      %dma_wait3A_61 = arith.constant 0 : i32
      %dma_wait3A_62 = tpu.memref_slice %arg3[%dma_wait3A_60, %dma_wait3A_61] : memref<100000x128xf32, #tpu.memory_space<hbm>> -> memref<128x128xf32, #tpu.memory_space<hbm>>
      %dma_wait3A_63 = arith.constant 0 : i32
      %dma_wait3A_64 = arith.constant 0 : i32
      %dma_wait3A_65 = tpu.memref_slice %arg3[%dma_wait3A_63, %dma_wait3A_64] : memref<100000x128xf32, #tpu.memory_space<hbm>> -> memref<128x128xf32, #tpu.memory_space<hbm>>
      tpu.wait_dma2 semaphore(%arg11 : memref<!tpu.dma_semaphore, #tpu.memory_space<semaphore_mem>>) src(%dma_wait3A_65 : memref<128x128xf32, #tpu.memory_space<hbm>>) dst(%arg6 : memref<128x128xf32, #tpu.memory_space<vmem>>)
      %mul3A_66 = arith.constant 128 : i32
      %mul3A_67 = arith.muli %add3A_55, %mul3A_66 : i32
      %add3A_68 = arith.addi %mul3A_2, %mul3A_67 : i32
      %dma_start3A_69 = arith.constant 0 : i32
      %dma_start3A_70 = tpu.memref_slice %arg4[%add3A_68, %dma_start3A_69] : memref<819200x128xf32, #tpu.memory_space<hbm>> -> memref<128x128xf32, #tpu.memory_space<hbm>>
      %dma_start3A_71 = arith.constant 0 : i32
      %dma_start3A_72 = tpu.memref_slice %arg4[%add3A_68, %dma_start3A_71] : memref<819200x128xf32, #tpu.memory_space<hbm>> -> memref<128x128xf32, #tpu.memory_space<hbm>>
      tpu.enqueue_dma source(%arg6 : memref<128x128xf32, #tpu.memory_space<vmem>>) target(%dma_start3A_72 : memref<128x128xf32, #tpu.memory_space<hbm>>) target_semaphore(%arg16 : memref<!tpu.dma_semaphore, #tpu.memory_space<semaphore_mem>>)
      %mul3A_73 = arith.constant 5 : i32
      %mul3A_74 = arith.muli %scan3A_51, %mul3A_73 : i32
      %add3A_75 = arith.constant 1 : i32
      %add3A_76 = arith.addi %mul3A_74, %add3A_75 : i32
      %add3A_77 = arith.constant 3 : i32
      %add3A_78 = arith.addi %add3A_76, %add3A_77 : i32
      %lt3A_79 = arith.constant 197 : i32
      %lt3A_80 = arith.cmpi slt, %add3A_76, %lt3A_79 : i32
      %convert_element_type3A_81 = arith.extui %lt3A_80 : i1 to i32
      %cond3A_82 = arith.constant 0 : i32
      %cond3A_83 = arith.cmpi ne, %convert_element_type3A_81, %cond3A_82 : i32
      scf.if %cond3A_83 {
        %ge3A = arith.constant 2 : i32
        %ge3A_169 = arith.cmpi sge, %add3A_76, %ge3A : i32
        %convert_element_type3A_170 = arith.extui %ge3A_169 : i1 to i32
        %cond3A_171 = arith.constant 0 : i32
        %cond3A_172 = arith.cmpi ne, %convert_element_type3A_170, %cond3A_171 : i32
        scf.if %cond3A_172 {
          %dma_wait3A_179 = arith.constant 0 : i32
          %dma_wait3A_180 = arith.constant 0 : i32
          %dma_wait3A_181 = tpu.memref_slice %arg4[%dma_wait3A_179, %dma_wait3A_180] : memref<819200x128xf32, #tpu.memory_space<hbm>> -> memref<128x128xf32, #tpu.memory_space<hbm>>
          %dma_wait3A_182 = arith.constant 0 : i32
          %dma_wait3A_183 = arith.constant 0 : i32
          %dma_wait3A_184 = tpu.memref_slice %arg4[%dma_wait3A_182, %dma_wait3A_183] : memref<819200x128xf32, #tpu.memory_space<hbm>> -> memref<128x128xf32, #tpu.memory_space<hbm>>
          tpu.wait_dma2 semaphore(%arg20 : memref<!tpu.dma_semaphore, #tpu.memory_space<semaphore_mem>>) src(%arg10 : memref<128x128xf32, #tpu.memory_space<vmem>>) dst(%dma_wait3A_184 : memref<128x128xf32, #tpu.memory_space<hbm>>)
        } else {
        }
        %mul3A_173 = arith.constant 128 : i32
        %mul3A_174 = arith.muli %add3A_78, %mul3A_173 : i32
        %dma_start3A_175 = tpu.memref_slice %arg5[%mul3A_174] : memref<25600xi32, #tpu.memory_space<vmem>> -> memref<128xi32, #tpu.memory_space<vmem>>
        %dma_start3A_176 = arith.constant 0 : i32
        %dma_start3A_177 = arith.constant 0 : i32
        %dma_start3A_178 = tpu.memref_slice %arg3[%dma_start3A_176, %dma_start3A_177] : memref<100000x128xf32, #tpu.memory_space<hbm>> -> memref<100000x128xf32, #tpu.memory_space<hbm>>
        tpu.enqueue_indirect_dma source(%dma_start3A_178 : memref<100000x128xf32, #tpu.memory_space<hbm>>) target(%arg10 : memref<128x128xf32, #tpu.memory_space<vmem>>) offsets(%dma_start3A_175 : memref<128xi32, #tpu.memory_space<vmem>>) semaphore(%arg15 : memref<!tpu.dma_semaphore, #tpu.memory_space<semaphore_mem>>)
      } else {
      }
      %dma_wait3A_84 = arith.constant 0 : i32
      %dma_wait3A_85 = arith.constant 0 : i32
      %dma_wait3A_86 = tpu.memref_slice %arg3[%dma_wait3A_84, %dma_wait3A_85] : memref<100000x128xf32, #tpu.memory_space<hbm>> -> memref<128x128xf32, #tpu.memory_space<hbm>>
      %dma_wait3A_87 = arith.constant 0 : i32
      %dma_wait3A_88 = arith.constant 0 : i32
      %dma_wait3A_89 = tpu.memref_slice %arg3[%dma_wait3A_87, %dma_wait3A_88] : memref<100000x128xf32, #tpu.memory_space<hbm>> -> memref<128x128xf32, #tpu.memory_space<hbm>>
      tpu.wait_dma2 semaphore(%arg12 : memref<!tpu.dma_semaphore, #tpu.memory_space<semaphore_mem>>) src(%dma_wait3A_89 : memref<128x128xf32, #tpu.memory_space<hbm>>) dst(%arg7 : memref<128x128xf32, #tpu.memory_space<vmem>>)
      %mul3A_90 = arith.constant 128 : i32
      %mul3A_91 = arith.muli %add3A_76, %mul3A_90 : i32
      %add3A_92 = arith.addi %mul3A_2, %mul3A_91 : i32
      %dma_start3A_93 = arith.constant 0 : i32
      %dma_start3A_94 = tpu.memref_slice %arg4[%add3A_92, %dma_start3A_93] : memref<819200x128xf32, #tpu.memory_space<hbm>> -> memref<128x128xf32, #tpu.memory_space<hbm>>
      %dma_start3A_95 = arith.constant 0 : i32
      %dma_start3A_96 = tpu.memref_slice %arg4[%add3A_92, %dma_start3A_95] : memref<819200x128xf32, #tpu.memory_space<hbm>> -> memref<128x128xf32, #tpu.memory_space<hbm>>
      tpu.enqueue_dma source(%arg7 : memref<128x128xf32, #tpu.memory_space<vmem>>) target(%dma_start3A_96 : memref<128x128xf32, #tpu.memory_space<hbm>>) target_semaphore(%arg17 : memref<!tpu.dma_semaphore, #tpu.memory_space<semaphore_mem>>)
      %mul3A_97 = arith.constant 5 : i32
      %mul3A_98 = arith.muli %scan3A_51, %mul3A_97 : i32
      %add3A_99 = arith.constant 2 : i32
      %add3A_100 = arith.addi %mul3A_98, %add3A_99 : i32
      %add3A_101 = arith.constant 3 : i32
      %add3A_102 = arith.addi %add3A_100, %add3A_101 : i32
      %lt3A_103 = arith.constant 197 : i32
      %lt3A_104 = arith.cmpi slt, %add3A_100, %lt3A_103 : i32
      %convert_element_type3A_105 = arith.extui %lt3A_104 : i1 to i32
      %cond3A_106 = arith.constant 0 : i32
      %cond3A_107 = arith.cmpi ne, %convert_element_type3A_105, %cond3A_106 : i32
      scf.if %cond3A_107 {
        %ge3A = arith.constant 2 : i32
        %ge3A_169 = arith.cmpi sge, %add3A_100, %ge3A : i32
        %convert_element_type3A_170 = arith.extui %ge3A_169 : i1 to i32
        %cond3A_171 = arith.constant 0 : i32
        %cond3A_172 = arith.cmpi ne, %convert_element_type3A_170, %cond3A_171 : i32
        scf.if %cond3A_172 {
          %dma_wait3A_179 = arith.constant 0 : i32
          %dma_wait3A_180 = arith.constant 0 : i32
          %dma_wait3A_181 = tpu.memref_slice %arg4[%dma_wait3A_179, %dma_wait3A_180] : memref<819200x128xf32, #tpu.memory_space<hbm>> -> memref<128x128xf32, #tpu.memory_space<hbm>>
          %dma_wait3A_182 = arith.constant 0 : i32
          %dma_wait3A_183 = arith.constant 0 : i32
          %dma_wait3A_184 = tpu.memref_slice %arg4[%dma_wait3A_182, %dma_wait3A_183] : memref<819200x128xf32, #tpu.memory_space<hbm>> -> memref<128x128xf32, #tpu.memory_space<hbm>>
          tpu.wait_dma2 semaphore(%arg16 : memref<!tpu.dma_semaphore, #tpu.memory_space<semaphore_mem>>) src(%arg6 : memref<128x128xf32, #tpu.memory_space<vmem>>) dst(%dma_wait3A_184 : memref<128x128xf32, #tpu.memory_space<hbm>>)
        } else {
        }
        %mul3A_173 = arith.constant 128 : i32
        %mul3A_174 = arith.muli %add3A_102, %mul3A_173 : i32
        %dma_start3A_175 = tpu.memref_slice %arg5[%mul3A_174] : memref<25600xi32, #tpu.memory_space<vmem>> -> memref<128xi32, #tpu.memory_space<vmem>>
        %dma_start3A_176 = arith.constant 0 : i32
        %dma_start3A_177 = arith.constant 0 : i32
        %dma_start3A_178 = tpu.memref_slice %arg3[%dma_start3A_176, %dma_start3A_177] : memref<100000x128xf32, #tpu.memory_space<hbm>> -> memref<100000x128xf32, #tpu.memory_space<hbm>>
        tpu.enqueue_indirect_dma source(%dma_start3A_178 : memref<100000x128xf32, #tpu.memory_space<hbm>>) target(%arg6 : memref<128x128xf32, #tpu.memory_space<vmem>>) offsets(%dma_start3A_175 : memref<128xi32, #tpu.memory_space<vmem>>) semaphore(%arg11 : memref<!tpu.dma_semaphore, #tpu.memory_space<semaphore_mem>>)
      } else {
      }
      %dma_wait3A_108 = arith.constant 0 : i32
      %dma_wait3A_109 = arith.constant 0 : i32
      %dma_wait3A_110 = tpu.memref_slice %arg3[%dma_wait3A_108, %dma_wait3A_109] : memref<100000x128xf32, #tpu.memory_space<hbm>> -> memref<128x128xf32, #tpu.memory_space<hbm>>
      %dma_wait3A_111 = arith.constant 0 : i32
      %dma_wait3A_112 = arith.constant 0 : i32
      %dma_wait3A_113 = tpu.memref_slice %arg3[%dma_wait3A_111, %dma_wait3A_112] : memref<100000x128xf32, #tpu.memory_space<hbm>> -> memref<128x128xf32, #tpu.memory_space<hbm>>
      tpu.wait_dma2 semaphore(%arg13 : memref<!tpu.dma_semaphore, #tpu.memory_space<semaphore_mem>>) src(%dma_wait3A_113 : memref<128x128xf32, #tpu.memory_space<hbm>>) dst(%arg8 : memref<128x128xf32, #tpu.memory_space<vmem>>)
      %mul3A_114 = arith.constant 128 : i32
      %mul3A_115 = arith.muli %add3A_100, %mul3A_114 : i32
      %add3A_116 = arith.addi %mul3A_2, %mul3A_115 : i32
      %dma_start3A_117 = arith.constant 0 : i32
      %dma_start3A_118 = tpu.memref_slice %arg4[%add3A_116, %dma_start3A_117] : memref<819200x128xf32, #tpu.memory_space<hbm>> -> memref<128x128xf32, #tpu.memory_space<hbm>>
      %dma_start3A_119 = arith.constant 0 : i32
      %dma_start3A_120 = tpu.memref_slice %arg4[%add3A_116, %dma_start3A_119] : memref<819200x128xf32, #tpu.memory_space<hbm>> -> memref<128x128xf32, #tpu.memory_space<hbm>>
      tpu.enqueue_dma source(%arg8 : memref<128x128xf32, #tpu.memory_space<vmem>>) target(%dma_start3A_120 : memref<128x128xf32, #tpu.memory_space<hbm>>) target_semaphore(%arg18 : memref<!tpu.dma_semaphore, #tpu.memory_space<semaphore_mem>>)
      %mul3A_121 = arith.constant 5 : i32
      %mul3A_122 = arith.muli %scan3A_51, %mul3A_121 : i32
      %add3A_123 = arith.constant 3 : i32
      %add3A_124 = arith.addi %mul3A_122, %add3A_123 : i32
      %add3A_125 = arith.constant 3 : i32
      %add3A_126 = arith.addi %add3A_124, %add3A_125 : i32
      %lt3A_127 = arith.constant 197 : i32
      %lt3A_128 = arith.cmpi slt, %add3A_124, %lt3A_127 : i32
      %convert_element_type3A_129 = arith.extui %lt3A_128 : i1 to i32
      %cond3A_130 = arith.constant 0 : i32
      %cond3A_131 = arith.cmpi ne, %convert_element_type3A_129, %cond3A_130 : i32
      scf.if %cond3A_131 {
        %ge3A = arith.constant 2 : i32
        %ge3A_169 = arith.cmpi sge, %add3A_124, %ge3A : i32
        %convert_element_type3A_170 = arith.extui %ge3A_169 : i1 to i32
        %cond3A_171 = arith.constant 0 : i32
        %cond3A_172 = arith.cmpi ne, %convert_element_type3A_170, %cond3A_171 : i32
        scf.if %cond3A_172 {
          %dma_wait3A_179 = arith.constant 0 : i32
          %dma_wait3A_180 = arith.constant 0 : i32
          %dma_wait3A_181 = tpu.memref_slice %arg4[%dma_wait3A_179, %dma_wait3A_180] : memref<819200x128xf32, #tpu.memory_space<hbm>> -> memref<128x128xf32, #tpu.memory_space<hbm>>
          %dma_wait3A_182 = arith.constant 0 : i32
          %dma_wait3A_183 = arith.constant 0 : i32
          %dma_wait3A_184 = tpu.memref_slice %arg4[%dma_wait3A_182, %dma_wait3A_183] : memref<819200x128xf32, #tpu.memory_space<hbm>> -> memref<128x128xf32, #tpu.memory_space<hbm>>
          tpu.wait_dma2 semaphore(%arg17 : memref<!tpu.dma_semaphore, #tpu.memory_space<semaphore_mem>>) src(%arg7 : memref<128x128xf32, #tpu.memory_space<vmem>>) dst(%dma_wait3A_184 : memref<128x128xf32, #tpu.memory_space<hbm>>)
        } else {
        }
        %mul3A_173 = arith.constant 128 : i32
        %mul3A_174 = arith.muli %add3A_126, %mul3A_173 : i32
        %dma_start3A_175 = tpu.memref_slice %arg5[%mul3A_174] : memref<25600xi32, #tpu.memory_space<vmem>> -> memref<128xi32, #tpu.memory_space<vmem>>
        %dma_start3A_176 = arith.constant 0 : i32
        %dma_start3A_177 = arith.constant 0 : i32
        %dma_start3A_178 = tpu.memref_slice %arg3[%dma_start3A_176, %dma_start3A_177] : memref<100000x128xf32, #tpu.memory_space<hbm>> -> memref<100000x128xf32, #tpu.memory_space<hbm>>
        tpu.enqueue_indirect_dma source(%dma_start3A_178 : memref<100000x128xf32, #tpu.memory_space<hbm>>) target(%arg7 : memref<128x128xf32, #tpu.memory_space<vmem>>) offsets(%dma_start3A_175 : memref<128xi32, #tpu.memory_space<vmem>>) semaphore(%arg12 : memref<!tpu.dma_semaphore, #tpu.memory_space<semaphore_mem>>)
      } else {
      }
      %dma_wait3A_132 = arith.constant 0 : i32
      %dma_wait3A_133 = arith.constant 0 : i32
      %dma_wait3A_134 = tpu.memref_slice %arg3[%dma_wait3A_132, %dma_wait3A_133] : memref<100000x128xf32, #tpu.memory_space<hbm>> -> memref<128x128xf32, #tpu.memory_space<hbm>>
      %dma_wait3A_135 = arith.constant 0 : i32
      %dma_wait3A_136 = arith.constant 0 : i32
      %dma_wait3A_137 = tpu.memref_slice %arg3[%dma_wait3A_135, %dma_wait3A_136] : memref<100000x128xf32, #tpu.memory_space<hbm>> -> memref<128x128xf32, #tpu.memory_space<hbm>>
      tpu.wait_dma2 semaphore(%arg14 : memref<!tpu.dma_semaphore, #tpu.memory_space<semaphore_mem>>) src(%dma_wait3A_137 : memref<128x128xf32, #tpu.memory_space<hbm>>) dst(%arg9 : memref<128x128xf32, #tpu.memory_space<vmem>>)
      %mul3A_138 = arith.constant 128 : i32
      %mul3A_139 = arith.muli %add3A_124, %mul3A_138 : i32
      %add3A_140 = arith.addi %mul3A_2, %mul3A_139 : i32
      %dma_start3A_141 = arith.constant 0 : i32
      %dma_start3A_142 = tpu.memref_slice %arg4[%add3A_140, %dma_start3A_141] : memref<819200x128xf32, #tpu.memory_space<hbm>> -> memref<128x128xf32, #tpu.memory_space<hbm>>
      %dma_start3A_143 = arith.constant 0 : i32
      %dma_start3A_144 = tpu.memref_slice %arg4[%add3A_140, %dma_start3A_143] : memref<819200x128xf32, #tpu.memory_space<hbm>> -> memref<128x128xf32, #tpu.memory_space<hbm>>
      tpu.enqueue_dma source(%arg9 : memref<128x128xf32, #tpu.memory_space<vmem>>) target(%dma_start3A_144 : memref<128x128xf32, #tpu.memory_space<hbm>>) target_semaphore(%arg19 : memref<!tpu.dma_semaphore, #tpu.memory_space<semaphore_mem>>)
      %mul3A_145 = arith.constant 5 : i32
      %mul3A_146 = arith.muli %scan3A_51, %mul3A_145 : i32
      %add3A_147 = arith.constant 4 : i32
      %add3A_148 = arith.addi %mul3A_146, %add3A_147 : i32
      %add3A_149 = arith.constant 3 : i32
      %add3A_150 = arith.addi %add3A_148, %add3A_149 : i32
      %lt3A_151 = arith.constant 197 : i32
      %lt3A_152 = arith.cmpi slt, %add3A_148, %lt3A_151 : i32
      %convert_element_type3A_153 = arith.extui %lt3A_152 : i1 to i32
      %cond3A_154 = arith.constant 0 : i32
      %cond3A_155 = arith.cmpi ne, %convert_element_type3A_153, %cond3A_154 : i32
      scf.if %cond3A_155 {
        %ge3A = arith.constant 2 : i32
        %ge3A_169 = arith.cmpi sge, %add3A_148, %ge3A : i32
        %convert_element_type3A_170 = arith.extui %ge3A_169 : i1 to i32
        %cond3A_171 = arith.constant 0 : i32
        %cond3A_172 = arith.cmpi ne, %convert_element_type3A_170, %cond3A_171 : i32
        scf.if %cond3A_172 {
          %dma_wait3A_179 = arith.constant 0 : i32
          %dma_wait3A_180 = arith.constant 0 : i32
          %dma_wait3A_181 = tpu.memref_slice %arg4[%dma_wait3A_179, %dma_wait3A_180] : memref<819200x128xf32, #tpu.memory_space<hbm>> -> memref<128x128xf32, #tpu.memory_space<hbm>>
          %dma_wait3A_182 = arith.constant 0 : i32
          %dma_wait3A_183 = arith.constant 0 : i32
          %dma_wait3A_184 = tpu.memref_slice %arg4[%dma_wait3A_182, %dma_wait3A_183] : memref<819200x128xf32, #tpu.memory_space<hbm>> -> memref<128x128xf32, #tpu.memory_space<hbm>>
          tpu.wait_dma2 semaphore(%arg18 : memref<!tpu.dma_semaphore, #tpu.memory_space<semaphore_mem>>) src(%arg8 : memref<128x128xf32, #tpu.memory_space<vmem>>) dst(%dma_wait3A_184 : memref<128x128xf32, #tpu.memory_space<hbm>>)
        } else {
        }
        %mul3A_173 = arith.constant 128 : i32
        %mul3A_174 = arith.muli %add3A_150, %mul3A_173 : i32
        %dma_start3A_175 = tpu.memref_slice %arg5[%mul3A_174] : memref<25600xi32, #tpu.memory_space<vmem>> -> memref<128xi32, #tpu.memory_space<vmem>>
        %dma_start3A_176 = arith.constant 0 : i32
        %dma_start3A_177 = arith.constant 0 : i32
        %dma_start3A_178 = tpu.memref_slice %arg3[%dma_start3A_176, %dma_start3A_177] : memref<100000x128xf32, #tpu.memory_space<hbm>> -> memref<100000x128xf32, #tpu.memory_space<hbm>>
        tpu.enqueue_indirect_dma source(%dma_start3A_178 : memref<100000x128xf32, #tpu.memory_space<hbm>>) target(%arg8 : memref<128x128xf32, #tpu.memory_space<vmem>>) offsets(%dma_start3A_175 : memref<128xi32, #tpu.memory_space<vmem>>) semaphore(%arg13 : memref<!tpu.dma_semaphore, #tpu.memory_space<semaphore_mem>>)
      } else {
      }
      %dma_wait3A_156 = arith.constant 0 : i32
      %dma_wait3A_157 = arith.constant 0 : i32
      %dma_wait3A_158 = tpu.memref_slice %arg3[%dma_wait3A_156, %dma_wait3A_157] : memref<100000x128xf32, #tpu.memory_space<hbm>> -> memref<128x128xf32, #tpu.memory_space<hbm>>
      %dma_wait3A_159 = arith.constant 0 : i32
      %dma_wait3A_160 = arith.constant 0 : i32
      %dma_wait3A_161 = tpu.memref_slice %arg3[%dma_wait3A_159, %dma_wait3A_160] : memref<100000x128xf32, #tpu.memory_space<hbm>> -> memref<128x128xf32, #tpu.memory_space<hbm>>
      tpu.wait_dma2 semaphore(%arg15 : memref<!tpu.dma_semaphore, #tpu.memory_space<semaphore_mem>>) src(%dma_wait3A_161 : memref<128x128xf32, #tpu.memory_space<hbm>>) dst(%arg10 : memref<128x128xf32, #tpu.memory_space<vmem>>)
      %mul3A_162 = arith.constant 128 : i32
      %mul3A_163 = arith.muli %add3A_148, %mul3A_162 : i32
      %add3A_164 = arith.addi %mul3A_2, %mul3A_163 : i32
      %dma_start3A_165 = arith.constant 0 : i32
      %dma_start3A_166 = tpu.memref_slice %arg4[%add3A_164, %dma_start3A_165] : memref<819200x128xf32, #tpu.memory_space<hbm>> -> memref<128x128xf32, #tpu.memory_space<hbm>>
      %dma_start3A_167 = arith.constant 0 : i32
      %dma_start3A_168 = tpu.memref_slice %arg4[%add3A_164, %dma_start3A_167] : memref<819200x128xf32, #tpu.memory_space<hbm>> -> memref<128x128xf32, #tpu.memory_space<hbm>>
      tpu.enqueue_dma source(%arg10 : memref<128x128xf32, #tpu.memory_space<vmem>>) target(%dma_start3A_168 : memref<128x128xf32, #tpu.memory_space<hbm>>) target_semaphore(%arg20 : memref<!tpu.dma_semaphore, #tpu.memory_space<semaphore_mem>>)
    }
    %scan3A_21 = arith.constant 40 : i32
    %dma_wait3A = arith.constant 0 : i32
    %dma_wait3A_22 = arith.constant 0 : i32
    %dma_wait3A_23 = tpu.memref_slice %arg4[%dma_wait3A, %dma_wait3A_22] : memref<819200x128xf32, #tpu.memory_space<hbm>> -> memref<128x128xf32, #tpu.memory_space<hbm>>
    %dma_wait3A_24 = arith.constant 0 : i32
    %dma_wait3A_25 = arith.constant 0 : i32
    %dma_wait3A_26 = tpu.memref_slice %arg4[%dma_wait3A_24, %dma_wait3A_25] : memref<819200x128xf32, #tpu.memory_space<hbm>> -> memref<128x128xf32, #tpu.memory_space<hbm>>
    tpu.wait_dma2 semaphore(%arg16 : memref<!tpu.dma_semaphore, #tpu.memory_space<semaphore_mem>>) src(%arg6 : memref<128x128xf32, #tpu.memory_space<vmem>>) dst(%dma_wait3A_26 : memref<128x128xf32, #tpu.memory_space<hbm>>)
    %dma_wait3A_27 = arith.constant 0 : i32
    %dma_wait3A_28 = arith.constant 0 : i32
    %dma_wait3A_29 = tpu.memref_slice %arg4[%dma_wait3A_27, %dma_wait3A_28] : memref<819200x128xf32, #tpu.memory_space<hbm>> -> memref<128x128xf32, #tpu.memory_space<hbm>>
    %dma_wait3A_30 = arith.constant 0 : i32
    %dma_wait3A_31 = arith.constant 0 : i32
    %dma_wait3A_32 = tpu.memref_slice %arg4[%dma_wait3A_30, %dma_wait3A_31] : memref<819200x128xf32, #tpu.memory_space<hbm>> -> memref<128x128xf32, #tpu.memory_space<hbm>>
    tpu.wait_dma2 semaphore(%arg17 : memref<!tpu.dma_semaphore, #tpu.memory_space<semaphore_mem>>) src(%arg7 : memref<128x128xf32, #tpu.memory_space<vmem>>) dst(%dma_wait3A_32 : memref<128x128xf32, #tpu.memory_space<hbm>>)
    %dma_wait3A_33 = arith.constant 0 : i32
    %dma_wait3A_34 = arith.constant 0 : i32
    %dma_wait3A_35 = tpu.memref_slice %arg4[%dma_wait3A_33, %dma_wait3A_34] : memref<819200x128xf32, #tpu.memory_space<hbm>> -> memref<128x128xf32, #tpu.memory_space<hbm>>
    %dma_wait3A_36 = arith.constant 0 : i32
    %dma_wait3A_37 = arith.constant 0 : i32
    %dma_wait3A_38 = tpu.memref_slice %arg4[%dma_wait3A_36, %dma_wait3A_37] : memref<819200x128xf32, #tpu.memory_space<hbm>> -> memref<128x128xf32, #tpu.memory_space<hbm>>
    tpu.wait_dma2 semaphore(%arg18 : memref<!tpu.dma_semaphore, #tpu.memory_space<semaphore_mem>>) src(%arg8 : memref<128x128xf32, #tpu.memory_space<vmem>>) dst(%dma_wait3A_38 : memref<128x128xf32, #tpu.memory_space<hbm>>)
    %dma_wait3A_39 = arith.constant 0 : i32
    %dma_wait3A_40 = arith.constant 0 : i32
    %dma_wait3A_41 = tpu.memref_slice %arg4[%dma_wait3A_39, %dma_wait3A_40] : memref<819200x128xf32, #tpu.memory_space<hbm>> -> memref<128x128xf32, #tpu.memory_space<hbm>>
    %dma_wait3A_42 = arith.constant 0 : i32
    %dma_wait3A_43 = arith.constant 0 : i32
    %dma_wait3A_44 = tpu.memref_slice %arg4[%dma_wait3A_42, %dma_wait3A_43] : memref<819200x128xf32, #tpu.memory_space<hbm>> -> memref<128x128xf32, #tpu.memory_space<hbm>>
    tpu.wait_dma2 semaphore(%arg19 : memref<!tpu.dma_semaphore, #tpu.memory_space<semaphore_mem>>) src(%arg9 : memref<128x128xf32, #tpu.memory_space<vmem>>) dst(%dma_wait3A_44 : memref<128x128xf32, #tpu.memory_space<hbm>>)
    %dma_wait3A_45 = arith.constant 0 : i32
    %dma_wait3A_46 = arith.constant 0 : i32
    %dma_wait3A_47 = tpu.memref_slice %arg4[%dma_wait3A_45, %dma_wait3A_46] : memref<819200x128xf32, #tpu.memory_space<hbm>> -> memref<128x128xf32, #tpu.memory_space<hbm>>
    %dma_wait3A_48 = arith.constant 0 : i32
    %dma_wait3A_49 = arith.constant 0 : i32
    %dma_wait3A_50 = tpu.memref_slice %arg4[%dma_wait3A_48, %dma_wait3A_49] : memref<819200x128xf32, #tpu.memory_space<hbm>> -> memref<128x128xf32, #tpu.memory_space<hbm>>
    tpu.wait_dma2 semaphore(%arg20 : memref<!tpu.dma_semaphore, #tpu.memory_space<semaphore_mem>>) src(%arg10 : memref<128x128xf32, #tpu.memory_space<vmem>>) dst(%dma_wait3A_50 : memref<128x128xf32, #tpu.memory_space<hbm>>)
    return
  }
}

</mosaic_0001>

<sc_bundles>
// kernel: kernel.3.cloned.1.call-start
scs
__scs_entry_jumppad:
0x0: {  	(pc) =	sbr.rel $0x88, $3  }
0x1: {  	(tag) =	ssettag $0x0;
	lr =	simm.s32 $0x1  }
0x2: {  	[smem:$0x3F9F] =	sst lr;
	_ =	strace $0xD0000000  }
0x3: {  	_ = 	snop  }
0x4: {  	_ = 	snop  }
0x5: {  	_ = 	snop  }
0x6: {  	_ = 	snop  }
0x7: {  	_ = 	snop  }
__scs_overlays_trampoline_lowered:
0x8: {  	[smem:$0x3FAE] =	sst s0  }
0x9: {  	[smem:$0x3FAF] =	sst s1  }
0xa: {  	[smem:$0x3FB0] =	sst s2  }
0xb: {  	[smem:$0x3FB1] =	sst s3  }
0xc: {  	[smem:$0x3FB2] =	sst s4  }
0xd: {  	[smem:$0x3FB3] =	sst s5  }
0xe: {  	[smem:$0x3FB4] =	sst s6  }
0xf: {  	[smem:$0x3FB5] =	sst s7  }
0x10: {  	[smem:$0x3FB6] =	sst s8  }
0x11: {  	[smem:$0x3FB7] =	sst s9;
	s0 =	simm.s32 @!p0 $0x0  }
0x12: {  	s1 =	sld [smem:$0x3F9D];
	s0 =	simm.s32 @p0 $0x1  }
0x13: {  	[smem:$0x3FB8] =	sst s0;
	s0 =	simm.s32 @!p1 $0x0  }
0x14: {  	s2 =	sld [smem:$0x3F9C];
	s0 =	simm.s32 @p1 $0x1  }
0x15: {  	[smem:$0x3FB9] =	sst s0;
	s0 =	simm.s32 @!p2 $0x0  }
0x16: {  	s3 =	sld [smem:$0x3FDB];
	s0 =	simm.s32 @p2 $0x1  }
0x17: {  	s4 =	simm.s32 $0x1BF5;
	[smem:$0x3FBB] =	sst s0  }
0x18: {  	s0 =	sld [smem:$0x3F9E];
	_ =	swait.ge [sflag:s4], $0x0  }
0x19: {  	s7 =	sld [smem:$0x3F9F]  }
0x1a: {  	s8 =	sadd.s32 $0xFFFFE003, lr  }
0x1b: {  	s9 =	sadd.s32 $0xFFFFFEF7, lr;
	s5 =	simm.s32 $0xFFFFFFFF;
	p2 =	slt.u32 s8, $0xFFFFF086  }
0x1c: {  	p1 =	slt.u32 s9, $0xF7A;
	s5 =	simm.s32 @!p2 $0x0  }
0x1d: {  	s5 =	simm.s32 @p1 $0x1;
	p0 =	seq.s32 s7, s2  }
0x1e: {  	s7 =	smul.u32 @!p0 $0xF7A, s2;
	p2 =	seq.s32 @!p0 s5, $0x0  }
0x1f: {  	s9 =	smul.u32 $0xF7A, s1;
	s8 =	simm.s32 @!p0 $0x1BF5;
	p2 =	por !p2, p0  }
0x20: {  	[sflag:s8] =	ssyncset.s32 @!p0 $0xFFFFF086;
	s6 =	sadd.s32 @!p0 s3, s7;
	s7 =	simm.s32 @!p0 $0x108  }
0x21: {  	s3 =	sadd.s32 s3, s9;
	s6 =	sadd.s32 @!p0 $0x88, s6;
	s7 =	simm.s32 @p2 $0x1082  }
0x22: {  	[simem:s7], [sflag:s8] =	dma.local @!p0 [hbm:s6], $0xF7A  }
0x23: {  	s9 =	sor.u32 $0xD0000000, s2;
	s6 =	simm.s32 $0x108;
	_ =	swait.ge @!p0 [sflag:s8], $0x0  }
0x24: {  	s3 =	sadd.s32 $0x88, s3;
	s6 =	simm.s32 @!p1 $0x1082;
	[sflag:s4] =	ssyncset.s32 $0xFFFFF086  }
0x25: {  	[simem:s6], [sflag:s4] =	dma.local [hbm:s3], $0xF7A  }
0x26: {  	[smem:$0x3F9F] =	sst s1;
	(tag) =	ssettag s2;
	_ =	strace s9  }
0x27: {  	s1 =	sld [smem:$0x3FAF]  }
0x28: {  	s2 =	sld [smem:$0x3FB0]  }
0x29: {  	s4 =	sld [smem:$0x3FB2]  }
0x2a: {  	p0 =	seq.s32 s5, $0x0;
	s5 =	sld [smem:$0x3FB3]  }
0x2b: {  	s6 =	sld [smem:$0x3FB4]  }
0x2c: {  	s7 =	sld [smem:$0x3FB5]  }
0x2d: {  	s3 =	simm.s32 $0x108;
	s8 =	sld [smem:$0x3FB6]  }
0x2e: {  	s3 =	simm.s32 @!p0 $0x1082;
	s9 =	sld [smem:$0x3FB7]  }
0x2f: {  	lr =	sadd.s32 s0, s3;
	s0 =	sld [smem:$0x3FAE]  }
0x30: {  	s3 =	sld [smem:$0x3FB1]  }
0x31: {  	[smem:$0x3FBA] =	sst s10  }
0x32: {  	s10 =	sld [smem:$0x3FB8];
	_ =	sdelay $0x3  }
0x33: {  	p0 =	seq.s32 s10, $0x1;
	s10 =	sld [smem:$0x3FBA];
	_ =	sdelay $0x3  }
0x34: {  	[smem:$0x3FBA] =	sst s10  }
0x35: {  	s10 =	sld [smem:$0x3FB9];
	_ =	sdelay $0x3  }
0x36: {  	p1 =	seq.s32 s10, $0x1;
	s10 =	sld [smem:$0x3FBA];
	_ =	sdelay $0x3  }
0x37: {  	[smem:$0x3FBA] =	sst s10  }
0x38: {  	s10 =	sld [smem:$0x3FBB]  }
0x39: {  	_ = 	snop;
	(pc) =	sbr.ind lr, $3  }
0x3a: {  	_ = 	snop  }
0x3b: {  	_ = 	snop  }
0x3c: {  	p2 =	seq.s32 s10, $0x1;
	s10 =	sld [smem:$0x3FBA]  }
0x3d: {  	_ =	shalt  }
0x3e: {  	_ =	shalt  }
0x3f: {  	_ =	shalt  }
0x40: {  	_ =	shalt  }
0x41: {  	_ =	shalt  }
0x42: {  	_ =	shalt  }
0x43: {  	_ =	shalt  }
0x44: {  	_ =	shalt  }
0x45: {  	_ =	shalt  }
0x46: {  	_ =	shalt  }
0x47: {  	_ =	shalt  }
0x48: {  	_ =	shalt  }
0x49: {  	_ =	shalt  }
0x4a: {  	_ =	shalt  }
0x4b: {  	_ =	shalt  }
0x4c: {  	_ =	shalt  }
0x4d: {  	_ =	shalt  }
0x4e: {  	_ =	shalt  }
0x4f: {  	_ =	shalt  }
0x50: {  	_ =	shalt  }
0x51: {  	_ =	shalt  }
0x52: {  	_ =	shalt  }
0x53: {  	_ =	shalt  }
0x54: {  	_ =	shalt  }
0x55: {  	_ =	shalt  }
0x56: {  	_ =	shalt  }
0x57: {  	_ =	shalt  }
0x58: {  	_ =	shalt  }
0x59: {  	_ =	shalt  }
0x5a: {  	_ =	shalt  }
0x5b: {  	_ =	shalt  }
0x5c: {  	_ =	shalt  }
0x5d: {  	_ =	shalt  }
0x5e: {  	_ =	shalt  }
0x5f: {  	_ =	shalt  }
0x60: {  	_ =	shalt  }
0x61: {  	_ =	shalt  }
0x62: {  	_ =	shalt  }
0x63: {  	_ =	shalt  }
0x64: {  	_ =	shalt  }
0x65: {  	_ =	shalt  }
0x66: {  	_ =	shalt  }
0x67: {  	_ =	shalt  }
0x68: {  	_ =	shalt  }
0x69: {  	_ =	shalt  }
0x6a: {  	_ =	shalt  }
0x6b: {  	_ =	shalt  }
0x6c: {  	_ =	shalt  }
0x6d: {  	_ =	shalt  }
0x6e: {  	_ =	shalt  }
0x6f: {  	_ =	shalt  }
0x70: {  	_ =	shalt  }
0x71: {  	_ =	shalt  }
0x72: {  	_ =	shalt  }
0x73: {  	_ =	shalt  }
0x74: {  	_ =	shalt  }
0x75: {  	_ =	shalt  }
0x76: {  	_ =	shalt  }
0x77: {  	_ =	shalt  }
0x78: {  	_ =	shalt  }
0x79: {  	_ =	shalt  }
0x7a: {  	_ =	shalt  }
0x7b: {  	_ =	shalt  }
0x7c: {  	_ =	shalt  }
0x7d: {  	_ =	shalt  }
0x7e: {  	_ =	shalt  }
0x7f: {  	_ =	shalt  }
0x80: {  	_ =	shalt  }
0x81: {  	_ =	shalt  }
0x82: {  	_ =	shalt  }
0x83: {  	_ =	shalt  }
0x84: {  	_ =	shalt  }
0x85: {  	_ =	shalt  }
0x86: {  	_ =	shalt  }
0x87: {  	_ =	shalt  }
.Lfunc_end0:
.L_simem_size_0:
called_computation_lowered:
.L_overlay_start_0:
0x88: {  	s2 =	sld [smem:$0x3FD9]  }
0x89: {  	s3 =	sld [smem:$0x3FFE];
	_ =	sdelay $0x1  }
0x8a: {  	s1 =	srdreg.scid  }
0x8b: {  	s0 =	sand.u32 $0x1, s1  }
0x8c: {  	s17 =	sshll.u32 s0, $0xA;
	s2 =	sadd.s32 s3, s2  }
0x8d: {  	s2 =	sadd.s32 s2, s17  }
0x8e: {  	[smem:$0x3FC6] =	sst s2  }
0x8f: {  	_ = 	snop  }
0x90: {  	s2 =	sld [smem:$0x3FC8]  }
0x91: {  	s18 =	sld [smem:$0x3FD0];
	(tm) =	ssettm $0x1  }
0x92: {  	s4 =	sld [smem:$0x3FFB];
	_ =	sdelay $0x3  }
0x93: {  	_ =	strace s4  }
0x94: {  	s4 =	sld [smem:$0x3FFC];
	_ =	sdelay $0x3  }
0x95: {  	_ =	strace s4  }
0x96: {  	s4 =	sld [smem:$0x3FFD];
	_ =	sdelay $0x3  }
0x97: {  	_ =	strace s4  }
0x98: {  	_ =	strace $0x8FFFFFFF  }
0x99: {  	s19 =	sld [smem:$0x3FDB];
	_ =	sdelay $0x1  }
0x9a: {  	s5 =	simm.s32 $_scs_section_size  }
0x9b: {  	s6 =	simm.s32 $_size__tile_overlayer_lowered;
	s7 =	simm.s32 $_tile_overlayer_lowered  }
0x9c: {  	s22 =	simm.s32 $0x1BFF;
	s21 =	sshll.u32 s7, $0x1;
	s4 =	sadd.s32 s5, s19  }
0x9d: {  	s8 =	simm.s32 $0x0;
	s20 =	sshll.u32 s6, $0x1;
	s6 =	sadd.s32 s21, s4  }
0x9e: {  	[timem:s8], [sflag:s22] =	dma.local [hbm:s6], s20  }
0x9f: {  	_ =	swait.ge [sflag:s22], s20  }
0xa0: {  	s5 =	ssub.s32 $0x0, s20;
	[sflag:s22] =	ssyncset.done $0x0  }
0xa1: {  	[sflag:s22] =	ssyncadd.s32 s5;
	_ =	sdelay $0x1  }
0xa2: {  	s23 =	simm.s32 $0x1B8B  }
0xa3: {  	_ =	swait.ge [sflag:s23], $0x1  }
0xa4: {  	[sflag:s23] =	ssyncset.done $0x0  }
0xa5: {  	s25 =	simm.s32 $0x1B8E;
	s24 =	sld [smem:$0x3FFE];
	[sflag:s23] =	ssyncadd.s32 $0xFFFFFFFF  }
0xa6: {  	s26 =	simm.s32 $execute0_lowered;
	[smem:$0x3FD2] =	sst s25  }
0xa7: {  	s6 =	sshll.u32 s26, $0x1;
	_ =	strace $0x80000046;
	[dreg:$0x1] =	wrdreg $0xFFFFFFFF  }
0xa8: {  	s28 =	simm.s32 $_size_execute0_lowered;
	s4 =	sadd.s32 s4, s6;
	[dreg:$0x0] =	wrdreg $0x0  }
0xa9: {  	s6 =	sshll.u32 s28, $0x1;
	[dreg:$0x2] =	wrdreg s4  }
0xaa: {  	[dreg:$0x3] =	wrdreg s6  }
0xab: {  	[dreg:$0x4] =	wrdreg $0xC0  }
0xac: {  	_ =	task [dreg:s8], $0x5FFFF  }
0xad: {  	[dreg:$0x1] =	wrdreg $0xFFFFFFFF  }
0xae: {  	[dreg:$0x0] =	wrdreg $0x60  }
0xaf: {  	[dreg:$0x2] =	wrdreg s24  }
0xb0: {  	[dreg:$0x3] =	wrdreg s2  }
0xb1: {  	[dreg:$0x4] =	wrdreg s18  }
0xb2: {  	[dreg:$0x5] =	wrdreg $0x9  }
0xb3: {  	_ =	task.clear_ibuf [dreg:s8], $0x6FFFF;
	_ =	strace $0x90000046  }
0xb4: {  	s29 =	simm.s32 $0x9;
	_ =	strace $0x80000048  }
0xb5: {  	_ =	swait.ge [sflag:s29], $0x1  }
0xb6: {  	[sflag:s29] =	ssyncadd.s32 $0xFFFFFFFF  }
0xb7: {  	_ =	strace $0x90000048  }
0xb8: {  	_ =	sfence  }
0xb9: {  	s30 =	sld [smem:$0x0];
	_ =	sdelay $0x2  }
0xba: {  	s31 =	sshll.u32 s1, $0xD;
	s1 =	sshrl.u32 s1, $0x2  }
0xbb: {  	s3 =	sand.u32 $0x4000, s31;
	s1 =	sadd.s32 s1, s30  }
0xbc: {  	s0 =	sor.u32 s3, s0;
	s1 =	sshll.u32 s1, $0x11  }
0xbd: {  	s0 =	sor.u32 s1, s0  }
0xbe: {  	s0 =	sadd.s32 $0x8F2B, s0  }
0xbf: {  	[sflag:s0] =	ssyncadd.remote.s32 $0x1  }
0xc0: {  	_ =	sfence.sel $0xFFFF  }
0xc1: {  	[dreg:$0x0] =	wrdreg $0xFFFFFFFF;
	(pc) =	sbr.abs _section_cstart, $3  }
0xc2: {  	[dreg:$0x1] =	wrdreg $0xFFFFFFFF  }
0xc3: {  	_ =	task.clear_ibuf [dreg:s8], $0x2FFFF;
	_ =	strace $0x9FFFFFFF  }
0xc4: {  	(tm) =	ssettm $0x7FFFFFFF  }
0xc5: {  	_ =	shalt  }
tec
execute0_lowered:
.L_overlay_start_1:
0x0: {  	(tag) =	ssettag $0x1  }
0x1: {  	s0 =	rddreg [dreg:$0x0]  }
0x2: {  	s1 =	srdreg.scid;
	s2 =	rddreg [dreg:$0x1]  }
0x3: {  	s10 =	stileid.u32;
	s4 =	rddreg [dreg:$0x2];
	s12 =	simm.s32 $0x80  }
0x4: {  	s13 =	simm.s32 $0x6400;
	s14 =	simm.s32 $0xA400;
	s9 =	smul.u32 $0x640000, s10  }
0x5: {  	s17 =	simm.s32 $0x12400;
	s1 =	sand.u32 $0x1, s1;
	s23 =	smul.u32 $0xC8000, s10  }
0x6: {  	s18 =	simm.s32 $0x1;
	s3 =	sshll.u32 s10, $0x1;
	s20 =	smul.u32 $0x320000, s1  }
0x7: {  	s5 =	sor.u32 s1, s3;
	s7 =	ssub.s32 $0x2, s1;
	s1 =	smul.u32 $0x64000, s1  }
0x8: {  	s29 =	simm.s32 $0x0;
	s3 =	simm.s32 $0x0;
	s6 =	smul.u32 $0x6400, s5  }
0x9: {  	[smem:$0x7FF] =	sst s3;
	s5 =	smul.u32 $0x320000, s5;
	s8 =	sshrl.u32 s7, $0x1  }
0xa: {  	s19 =	ssub.s32 s7, s8;
	_ =	strace $0x80000047;
	s7 =	sadd.s32 s20, s9  }
0xb: {  	s20 =	simm.s32 $0x2;
	s6 =	sshrl.u32 s6, $0x3;
	s21 =	smax.u32 s19, $0x1  }
0xc: {  	s22 =	sshrl.u32 s5, $0x3;
	s24 =	sor.u32 $0x10000, s7;
	s5 =	sadd.s32 s23, s4  }
0xd: {  	s30 =	sor.u32 $0xC000, s7;
	s31 =	sor.u32 $0x8000, s7;
	s7 =	sor.u32 $0x4000, s7  }
0xe: {  	s19 =	simm.s32 $0x16400;
	s0 =	sadd.s32 s6, s0;
	[dreg:$0x6] =	wrdreg s21  }
0xf: {  	s25 =	sshrl.u32 s24, $0x3;
	s26 =	sadd.s32 s1, s5;
	s1 =	sshrl.u32 s31, $0x3  }
0x10: {  	s7 =	sshrl.u32 s7, $0x3;
	s0 =	sadd.s32 $0x400, s0;
	[dreg:$0x7] =	wrdreg s26  }
0x11: {  	s21 =	simm.s32 $0x4;
	[dreg:$0x5] =	wrdreg s0;
	s0 =	sadd.s32 s4, s22  }
0x12: {  	s28 =	sadd.s32 s25, s4;
	s9 =	sadd.s32 s1, s4;
	s0 =	sadd.s32 $0x62800, s0  }
0x13: {  	s10 =	sadd.s32 s7, s4;
	[dreg:$0x4] =	wrdreg s0;
	s0 =	sshrl.u32 s30, $0x3  }
0x14: {  	[dreg:$0x8] =	wrdreg s28;
	s22 =	simm.s32 $0x5;
	s8 =	sadd.s32 s0, s4  }
.LBB2_1:
0x15: {  	s0 =	rddreg [dreg:$0x5];
	s24 =	simm.s32 $0xB  }
0x16: {  	[tilespmem:s3], [sflag:$0xB] =	stream.linear.gather [hbm4b:s0+s3], $0x6400, $0x38;
	[tilespmem:$0x1A400] =	vst v63  }
0x17: {  	_ =	swait.ge [sflag:s24], $0x6400  }
0x18: {  	[sflag:s24] =	ssyncset.done $0x0  }
0x19: {  	[sflag:s24] =	ssyncadd.s32 $0xFFFF9C00  }
0x1a: {  	[tilespmem:s13], [sflag:$0x1] =	stream.indirect.gather [hbm4b:s2+s12], $0x80, s3, s12, $0xb8;
	[tilespmem:$0x1A400] =	vst v63  }
0x1b: {  	p0 =	por $0x1, $0x1  }
0x1c: {  	[tilespmem:s14], [sflag:$0x2] =	stream.indirect.gather [hbm4b:s2+s12], $0x80, s12, s12, $0xb8;
	[tilespmem:$0x1A400] =	vst v63  }
0x1d: {  	s25 =	simm.s32 $0x100;
	s1 =	simm.s32 $0xE400;
	s0 =	simm.s32 @!p0 $0x9  }
0x1e: {  	[tilespmem:s1], [sflag:$0x3] =	stream.indirect.gather [hbm4b:s2+s12], $0x80, s25, s12, $0xb8;
	[tilespmem:$0x1A400] =	vst v63  }
0x1f: {  	_ =	swait.ge @!p0 [sflag:s0], $0x4000  }
0x20: {  	[sflag:s0] =	ssyncset.done @!p0 $0x0  }
0x21: {  	s26 =	simm.s32 $0x180;
	[sflag:s0] =	ssyncadd.s32 @!p0 $0xFFFFC000  }
0x22: {  	[tilespmem:s17], [sflag:$0x4] =	stream.indirect.gather [hbm4b:s2+s12], $0x80, s26, s12, $0xb8;
	[tilespmem:$0x1A400] =	vst v63  }
0x23: {  	_ =	swait.ge [sflag:s18], $0x4000  }
0x24: {  	[sflag:s18] =	ssyncset.done $0x0  }
0x25: {  	s0 =	simm.s32 @!p0 $0xA;
	s5 =	rddreg [dreg:$0x7];
	[sflag:s18] =	ssyncadd.s32 $0xFFFFC000  }
0x26: {  	[hbm4b:s5+s3] =	stream.linear.scatter [tilespmem:s13], [sflag:$0x6], $0x4000, $0x38;
	[tilespmem:$0x1A400] =	vst v63  }
0x27: {  	_ =	swait.ge @!p0 [sflag:s0], $0x4000  }
0x28: {  	[sflag:s0] =	ssyncset.done @!p0 $0x0  }
0x29: {  	s28 =	simm.s32 $0x200;
	[sflag:s0] =	ssyncadd.s32 @!p0 $0xFFFFC000  }
0x2a: {  	[tilespmem:s19], [sflag:$0x5] =	stream.indirect.gather [hbm4b:s2+s12], $0x80, s28, s12, $0xb8;
	[tilespmem:$0x1A400] =	vst v63  }
0x2b: {  	_ =	swait.ge [sflag:s20], $0x4000  }
0x2c: {  	p0 =	por $0x0, $0x0;
	[sflag:s20] =	ssyncset.done $0x0  }
0x2d: {  	s0 =	simm.s32 @p0 $0x3;
	[sflag:s20] =	ssyncadd.s32 $0xFFFFC000  }
0x2e: {  	[hbm4b:s10+s3] =	stream.linear.scatter [tilespmem:s14], [sflag:$0x7], $0x4000, $0x38;
	[tilespmem:$0x1A400] =	vst v63  }
0x2f: {  	_ =	swait.ge @p0 [sflag:s0], $0x4000  }
0x30: {  	s4 =	simm.s32 @p0 $0xE400;
	s7 =	simm.s32 @!p0 $0x6;
	[sflag:s0] =	ssyncset.done @p0 $0x0  }
0x31: {  	s1 =	rddreg [dreg:$0x4];
	[sflag:s0] =	ssyncadd.s32 @p0 $0xFFFFC000;
	s0 =	simm.s32 @p0 $0x0  }
0x32: {  	[hbm4b:s1+s0] =	stream.linear.scatter @p0 [tilespmem:s4], [sflag:$0x8], $0x4000, $0x38;
	[tilespmem:$0x1A400] =	vst v63  }
0x33: {  	_ =	swait.ge @!p0 [sflag:s7], $0x4000  }
0x34: {  	s16 =	simm.s32 @!p0 $0x80;
	s0 =	simm.s32 @!p0 $0x280;
	[sflag:s7] =	ssyncset.done @!p0 $0x0  }
0x35: {  	s1 =	simm.s32 @!p0 $0x6400;
	s4 =	simm.s32 @!p0 $0x3;
	[sflag:s7] =	ssyncadd.s32 @!p0 $0xFFFFC000  }
0x36: {  	[tilespmem:s1], [sflag:$0x1] =	stream.indirect.gather @!p0 [hbm4b:s2+s16], $0x80, s0, s16, $0xb8;
	[tilespmem:$0x1A400] =	vst v63  }
0x37: {  	_ =	swait.ge @!p0 [sflag:s4], $0x4000  }
0x38: {  	s7 =	simm.s32 @!p0 $0xE400;
	[sflag:s4] =	ssyncset.done @!p0 $0x0  }
0x39: {  	s0 =	simm.s32 @!p0 $0x0;
	s1 =	simm.s32 @!p0 $0x7;
	[sflag:s4] =	ssyncadd.s32 @!p0 $0xFFFFC000  }
0x3a: {  	[hbm4b:s9+s0] =	stream.linear.scatter @!p0 [tilespmem:s7], [sflag:$0x8], $0x4000, $0x38;
	[tilespmem:$0x1A400] =	vst v63  }
0x3b: {  	_ =	swait.ge @!p0 [sflag:s1], $0x4000  }
0x3c: {  	[sflag:s1] =	ssyncset.done @!p0 $0x0  }
0x3d: {  	s4 =	simm.s32 @!p0 $0xA400;
	s0 =	simm.s32 @!p0 $0x300;
	[sflag:s1] =	ssyncadd.s32 @!p0 $0xFFFFC000  }
0x3e: {  	[tilespmem:s4], [sflag:$0x2] =	stream.indirect.gather @!p0 [hbm4b:s2+s16], $0x80, s0, s16, $0xb8;
	[tilespmem:$0x1A400] =	vst v63  }
0x3f: {  	_ =	swait.ge [sflag:s21], $0x4000  }
0x40: {  	[sflag:s21] =	ssyncset.done $0x0  }
0x41: {  	s0 =	simm.s32 @!p0 $0x8;
	[sflag:s21] =	ssyncadd.s32 $0xFFFFC000  }
0x42: {  	[hbm4b:s8+s3] =	stream.linear.scatter [tilespmem:s17], [sflag:$0x9], $0x4000, $0x38;
	[tilespmem:$0x1A400] =	vst v63  }
0x43: {  	s15 =	simm.s32 $0xA00;
	_ =	swait.ge @!p0 [sflag:s0], $0x4000  }
0x44: {  	s31 =	sadd.s32 $0x2800, s8;
	p1 =	por $0x0, $0x0;
	[sflag:s0] =	ssyncset.done @!p0 $0x0  }
0x45: {  	s30 =	simm.s32 @!p0 $0x380;
	s1 =	sadd.s32 $0x2800, s9;
	[sflag:s0] =	ssyncadd.s32 @!p0 $0xFFFFC000  }
0x46: {  	[tilespmem:s7], [sflag:$0x3] =	stream.indirect.gather @!p0 [hbm4b:s2+s16], $0x80, s30, s16, $0xb8;
	[tilespmem:$0x1A400] =	vst v63  }
0x47: {  	s4 =	simm.s32 $0x1400;
	s0 =	sadd.s32 $0x2800, s10;
	s7 =	rddreg [dreg:$0x8]  }
0x48: {  	s16 =	sadd.s32 $0x2800, s5;
	s30 =	sadd.s32 $0x2800, s7;
	_ =	swait.ge [sflag:s22], $0x4000  }
.LBB2_2:
0x49: {  	[sflag:s22] =	ssyncset.done $0x0  }
0x4a: {  	s11 =	simm.s32 @!p1 $0x9;
	[sflag:s22] =	ssyncadd.s32 $0xFFFFC000  }
0x4b: {  	[hbm4b:s7+s3] =	stream.linear.scatter [tilespmem:s19], [sflag:$0xA], $0x4000, $0x38;
	[tilespmem:$0x1A400] =	vst v63  }
0x4c: {  	_ =	swait.ge @!p1 [sflag:s11], $0x4000  }
0x4d: {  	s24 =	sshra.s32 s15, $0x2;
	[sflag:s11] =	ssyncset.done @!p1 $0x0  }
0x4e: {  	s25 =	sadd.s32 $0x180, s24;
	[sflag:s11] =	ssyncadd.s32 @!p1 $0xFFFFC000  }
0x4f: {  	[tilespmem:s17], [sflag:$0x4] =	stream.indirect.gather [hbm4b:s2+s12], $0x80, s25, s12, $0xb8;
	[tilespmem:$0x1A400] =	vst v63  }
0x50: {  	_ =	swait.ge [sflag:s18], $0x4000  }
0x51: {  	[sflag:s18] =	ssyncset.done $0x0  }
0x52: {  	s11 =	simm.s32 @!p1 $0xA;
	[sflag:s18] =	ssyncadd.s32 $0xFFFFC000  }
0x53: {  	[hbm4b:s16+s3] =	stream.linear.scatter [tilespmem:s13], [sflag:$0x6], $0x4000, $0x38;
	[tilespmem:$0x1A400] =	vst v63  }
0x54: {  	_ =	swait.ge @!p1 [sflag:s11], $0x4000  }
0x55: {  	[sflag:s11] =	ssyncset.done @!p1 $0x0  }
0x56: {  	s24 =	sadd.s32 $0x200, s24;
	[sflag:s11] =	ssyncadd.s32 @!p1 $0xFFFFC000  }
0x57: {  	[tilespmem:s19], [sflag:$0x5] =	stream.indirect.gather [hbm4b:s2+s12], $0x80, s24, s12, $0xb8;
	[tilespmem:$0x1A400] =	vst v63  }
0x58: {  	_ =	swait.ge [sflag:s20], $0x4000  }
0x59: {  	p1 =	seq.s32 s15, $0x18600;
	[sflag:s20] =	ssyncset.done $0x0  }
0x5a: {  	s11 =	simm.s32 @p1 $0x3;
	[sflag:s20] =	ssyncadd.s32 $0xFFFFC000  }
0x5b: {  	[hbm4b:s0+s3] =	stream.linear.scatter [tilespmem:s14], [sflag:$0x7], $0x4000, $0x38;
	[tilespmem:$0x1A400] =	vst v63  }
0x5c: {  	_ =	swait.ge @p1 [sflag:s11], $0x4000  }
0x5d: {  	s6 =	simm.s32 @p1 $0xE400;
	s5 =	simm.s32 @!p1 $0x6;
	[sflag:s11] =	ssyncset.done @p1 $0x0  }
0x5e: {  	s26 =	rddreg [dreg:$0x4];
	[sflag:s11] =	ssyncadd.s32 @p1 $0xFFFFC000;
	s11 =	simm.s32 @p1 $0x0  }
0x5f: {  	[hbm4b:s26+s11] =	stream.linear.scatter @p1 [tilespmem:s6], [sflag:$0x8], $0x4000, $0x38;
	[tilespmem:$0x1A400] =	vst v63  }
0x60: {  	s23 =	smov.u32 s4;
	s15 =	sshra.s32 @!p1 s15, $0x2;
	_ =	swait.ge @!p1 [sflag:s5], $0x4000  }
0x61: {  	s24 =	sadd.s32 @!p1 $0x280, s15;
	s6 =	simm.s32 @!p1 $0x80;
	[sflag:s5] =	ssyncset.done @!p1 $0x0  }
0x62: {  	s11 =	simm.s32 @!p1 $0x6400;
	[sflag:s5] =	ssyncadd.s32 @!p1 $0xFFFFC000;
	s5 =	simm.s32 @!p1 $0x3  }
0x63: {  	[tilespmem:s11], [sflag:$0x1] =	stream.indirect.gather @!p1 [hbm4b:s2+s6], $0x80, s24, s6, $0xb8;
	[tilespmem:$0x1A400] =	vst v63  }
0x64: {  	s25 =	sadd.s32 @!p1 $0x300, s15;
	s28 =	sadd.s32 @!p1 $0x380, s15;
	_ =	swait.ge @!p1 [sflag:s5], $0x4000  }
0x65: {  	s15 =	smov.u32 s23;
	s23 =	simm.s32 @!p1 $0xE400;
	[sflag:s5] =	ssyncset.done @!p1 $0x0  }
0x66: {  	s11 =	simm.s32 @!p1 $0x0;
	[sflag:s5] =	ssyncadd.s32 @!p1 $0xFFFFC000;
	s5 =	simm.s32 @!p1 $0x7  }
0x67: {  	[hbm4b:s1+s11] =	stream.linear.scatter @!p1 [tilespmem:s23], [sflag:$0x8], $0x4000, $0x38;
	[tilespmem:$0x1A400] =	vst v63  }
0x68: {  	_ =	swait.ge @!p1 [sflag:s5], $0x4000  }
0x69: {  	[sflag:s5] =	ssyncset.done @!p1 $0x0  }
0x6a: {  	s11 =	simm.s32 @!p1 $0xA400;
	[sflag:s5] =	ssyncadd.s32 @!p1 $0xFFFFC000  }
0x6b: {  	[tilespmem:s11], [sflag:$0x2] =	stream.indirect.gather @!p1 [hbm4b:s2+s6], $0x80, s25, s6, $0xb8;
	[tilespmem:$0x1A400] =	vst v63  }
0x6c: {  	_ =	swait.ge [sflag:s21], $0x4000  }
0x6d: {  	s4 =	sadd.s32 $0xA00, s4;
	[sflag:s21] =	ssyncset.done $0x0  }
0x6e: {  	p0 =	sne.s32 s4, $0x19000;
	s5 =	simm.s32 @!p1 $0x8;
	[sflag:s21] =	ssyncadd.s32 $0xFFFFC000  }
0x6f: {  	[hbm4b:s31+s3] =	stream.linear.scatter [tilespmem:s17], [sflag:$0x9], $0x4000, $0x38;
	[tilespmem:$0x1A400] =	vst v63  }
.Ltmp0:
0x70: {  	s7 =	smov.u32 s30;
	_ =	swait.ge @!p1 [sflag:s5], $0x4000;
	(pc) =	sbr.rel @p0 .LBB2_2-.Ltmp0, $4  }
0x71: {  	s30 =	sadd.s32 $0x2800, s30;
	s16 =	sadd.s32 $0x2800, s16;
	[sflag:s5] =	ssyncset.done @!p1 $0x0  }
0x72: {  	s0 =	sadd.s32 $0x2800, s0;
	s1 =	sadd.s32 $0x2800, s1;
	[sflag:s5] =	ssyncadd.s32 @!p1 $0xFFFFC000  }
0x73: {  	[tilespmem:s23], [sflag:$0x3] =	stream.indirect.gather @!p1 [hbm4b:s2+s6], $0x80, s28, s6, $0xb8;
	[tilespmem:$0x1A400] =	vst v63  }
0x74: {  	s31 =	sadd.s32 $0x2800, s31;
	p1 =	seq.s32 s15, $0x0;
	_ =	swait.ge [sflag:s22], $0x4000  }
0x75: {  	[sflag:s22] =	ssyncset.done $0x0  }
0x76: {  	s4 =	simm.s32 @!p1 $0x9;
	[sflag:s22] =	ssyncadd.s32 $0xFFFFC000  }
0x77: {  	[hbm4b:s7+s3] =	stream.linear.scatter [tilespmem:s19], [sflag:$0xA], $0x4000, $0x38;
	[tilespmem:$0x1A400] =	vst v63  }
0x78: {  	_ =	swait.ge @!p1 [sflag:s4], $0x4000  }
0x79: {  	s5 =	sshra.s32 s15, $0x2;
	[sflag:s4] =	ssyncset.done @!p1 $0x0  }
0x7a: {  	s23 =	sadd.s32 $0x180, s5;
	[sflag:s4] =	ssyncadd.s32 @!p1 $0xFFFFC000  }
0x7b: {  	[tilespmem:s17], [sflag:$0x4] =	stream.indirect.gather [hbm4b:s2+s12], $0x80, s23, s12, $0xb8;
	[tilespmem:$0x1A400] =	vst v63  }
0x7c: {  	_ =	swait.ge [sflag:s18], $0x4000  }
0x7d: {  	[sflag:s18] =	ssyncset.done $0x0  }
0x7e: {  	s4 =	simm.s32 @!p1 $0xA;
	[sflag:s18] =	ssyncadd.s32 $0xFFFFC000  }
0x7f: {  	[hbm4b:s16+s3] =	stream.linear.scatter [tilespmem:s13], [sflag:$0x6], $0x4000, $0x38;
	[tilespmem:$0x1A400] =	vst v63  }
0x80: {  	_ =	swait.ge @!p1 [sflag:s4], $0x4000  }
0x81: {  	[sflag:s4] =	ssyncset.done @!p1 $0x0  }
0x82: {  	s5 =	sadd.s32 $0x200, s5;
	[sflag:s4] =	ssyncadd.s32 @!p1 $0xFFFFC000  }
0x83: {  	[tilespmem:s19], [sflag:$0x5] =	stream.indirect.gather [hbm4b:s2+s12], $0x80, s5, s12, $0xb8;
	[tilespmem:$0x1A400] =	vst v63  }
0x84: {  	_ =	swait.ge [sflag:s20], $0x4000  }
0x85: {  	p0 =	seq.s32 s15, $0x18600;
	[sflag:s20] =	ssyncset.done $0x0  }
0x86: {  	s4 =	simm.s32 @p0 $0x3;
	[sflag:s20] =	ssyncadd.s32 $0xFFFFC000  }
0x87: {  	[hbm4b:s0+s3] =	stream.linear.scatter [tilespmem:s14], [sflag:$0x7], $0x4000, $0x38;
	[tilespmem:$0x1A400] =	vst v63  }
0x88: {  	_ =	swait.ge @p0 [sflag:s4], $0x4000  }
0x89: {  	s5 =	simm.s32 @p0 $0xE400;
	[sflag:s4] =	ssyncset.done @p0 $0x0  }
0x8a: {  	s0 =	rddreg [dreg:$0x4];
	[sflag:s4] =	ssyncadd.s32 @p0 $0xFFFFC000;
	s4 =	simm.s32 @p0 $0x0  }
0x8b: {  	[hbm4b:s0+s4] =	stream.linear.scatter @p0 [tilespmem:s5], [sflag:$0x8], $0x4000, $0x38;
	[tilespmem:$0x1A400] =	vst v63  }
0x8c: {  	s0 =	simm.s32 @!p0 $0x6  }
0x8d: {  	_ =	swait.ge @!p0 [sflag:s0], $0x4000  }
0x8e: {  	s6 =	simm.s32 @!p0 $0x80;
	s4 =	sshra.s32 @!p0 s15, $0x2;
	[sflag:s0] =	ssyncset.done @!p0 $0x0  }
0x8f: {  	s5 =	sadd.s32 @!p0 $0x280, s4;
	[sflag:s0] =	ssyncadd.s32 @!p0 $0xFFFFC000;
	s0 =	simm.s32 @!p0 $0x6400  }
0x90: {  	[tilespmem:s0], [sflag:$0x1] =	stream.indirect.gather @!p0 [hbm4b:s2+s6], $0x80, s5, s6, $0xb8;
	[tilespmem:$0x1A400] =	vst v63  }
0x91: {  	s0 =	simm.s32 @!p0 $0x3  }
0x92: {  	_ =	swait.ge @!p0 [sflag:s0], $0x4000  }
0x93: {  	[sflag:s0] =	ssyncset.done @!p0 $0x0  }
0x94: {  	s5 =	simm.s32 @!p0 $0x0;
	[sflag:s0] =	ssyncadd.s32 @!p0 $0xFFFFC000;
	s0 =	simm.s32 @!p0 $0xE400  }
0x95: {  	[hbm4b:s1+s5] =	stream.linear.scatter @!p0 [tilespmem:s0], [sflag:$0x8], $0x4000, $0x38;
	[tilespmem:$0x1A400] =	vst v63  }
0x96: {  	s1 =	simm.s32 @!p0 $0x7  }
0x97: {  	_ =	swait.ge @!p0 [sflag:s1], $0x4000  }
0x98: {  	[sflag:s1] =	ssyncset.done @!p0 $0x0  }
0x99: {  	s5 =	sadd.s32 @!p0 $0x300, s4;
	[sflag:s1] =	ssyncadd.s32 @!p0 $0xFFFFC000;
	s1 =	simm.s32 @!p0 $0xA400  }
0x9a: {  	[tilespmem:s1], [sflag:$0x2] =	stream.indirect.gather @!p0 [hbm4b:s2+s6], $0x80, s5, s6, $0xb8;
	[tilespmem:$0x1A400] =	vst v63  }
0x9b: {  	_ =	swait.ge [sflag:s21], $0x4000  }
0x9c: {  	[sflag:s21] =	ssyncset.done $0x0  }
0x9d: {  	s1 =	simm.s32 @!p0 $0x8;
	[sflag:s21] =	ssyncadd.s32 $0xFFFFC000  }
0x9e: {  	[hbm4b:s31+s3] =	stream.linear.scatter [tilespmem:s17], [sflag:$0x9], $0x4000, $0x38;
	[tilespmem:$0x1A400] =	vst v63  }
0x9f: {  	_ =	swait.ge @!p0 [sflag:s1], $0x4000  }
0xa0: {  	[sflag:s1] =	ssyncset.done @!p0 $0x0  }
0xa1: {  	[sflag:s1] =	ssyncadd.s32 @!p0 $0xFFFFC000;
	s1 =	sadd.s32 @!p0 $0x380, s4  }
0xa2: {  	[tilespmem:s0], [sflag:$0x3] =	stream.indirect.gather @!p0 [hbm4b:s2+s6], $0x80, s1, s6, $0xb8;
	[tilespmem:$0x1A400] =	vst v63  }
0xa3: {  	_ =	swait.ge [sflag:s22], $0x4000  }
0xa4: {  	[sflag:s22] =	ssyncset.done $0x0  }
0xa5: {  	s24 =	simm.s32 $0x6;
	[sflag:s22] =	ssyncadd.s32 $0xFFFFC000  }
0xa6: {  	[hbm4b:s30+s3] =	stream.linear.scatter [tilespmem:s19], [sflag:$0xA], $0x4000, $0x38;
	[tilespmem:$0x1A400] =	vst v63  }
0xa7: {  	_ =	swait.ge [sflag:s24], $0x4000  }
0xa8: {  	[sflag:s24] =	ssyncset.done $0x0  }
0xa9: {  	s25 =	simm.s32 $0x7;
	[sflag:s24] =	ssyncadd.s32 $0xFFFFC000  }
0xaa: {  	_ =	swait.ge [sflag:s25], $0x4000  }
0xab: {  	[sflag:s25] =	ssyncset.done $0x0  }
0xac: {  	s26 =	simm.s32 $0x8;
	[sflag:s25] =	ssyncadd.s32 $0xFFFFC000  }
0xad: {  	_ =	swait.ge [sflag:s26], $0x4000  }
0xae: {  	[sflag:s26] =	ssyncset.done $0x0  }
0xaf: {  	s28 =	simm.s32 $0x9;
	[sflag:s26] =	ssyncadd.s32 $0xFFFFC000  }
0xb0: {  	_ =	swait.ge [sflag:s28], $0x4000  }
0xb1: {  	[sflag:s28] =	ssyncset.done $0x0  }
0xb2: {  	s30 =	simm.s32 $0xA;
	[sflag:s28] =	ssyncadd.s32 $0xFFFFC000  }
0xb3: {  	_ =	swait.ge [sflag:s30], $0x4000  }
0xb4: {  	s29 =	sadd.s32 $0x1, s29;
	s31 =	rddreg [dreg:$0x6]  }
0xb5: {  	p0 =	sne.s32 s29, s31  }
.Ltmp1:
0xb6: {  	_ = 	snop;
	(pc) =	sbr.rel @p0 .LBB2_1-.Ltmp1, $3  }
0xb7: {  	_ =	sdelay $0x1  }
0xb8: {  	[sflag:s30] =	ssyncset.done $0x0  }
0xb9: {  	[sflag:s30] =	ssyncadd.s32 $0xFFFFC000  }
0xba: {  	_ =	sfence.sel $0x180000  }
0xbb: {  	[bflag:$0x0] =	sbarrier.arrive $0xFFFF  }
0xbc: {  	_ =	strace $0x90000047  }
0xbd: {  	s0 =	stileid.u32;
	[bflag:$0x2] =	sbarrier.arrive $0xFFFF  }
0xbe: {  	p0 =	sne.s32 s0, $0x0;
	s0 =	rddreg [dreg:$0x3]  }
0xbf: {  	s0 =	sadd.s32 @!p0 $0x100000, s0  }
0xc0: {  	[sflag:s0] =	ssyncadd.tile.s32 @!p0 $0x1;
	_ =	shalt  }
.Lfunc_end2:
_tile_overlayer_lowered:
.L_overlay_start_2:
0xc1: {  	(tag) =	ssettag $0x2  }
0xc2: {  	s0 =	rddreg [dreg:$0x0];
	s2 =	stileid.u32  }
0xc3: {  	s1 =	rddreg [dreg:$0x1];
	p0 =	sne.s32 s2, $0x0  }
0xc4: {  	s3 =	rddreg [dreg:$0x2];
	[bflag:$0x3] =	sbarrier.arrive $0xFFFF;
	s2 =	simm.s32 @!p0 $0x1C0B  }
0xc5: {  	[timem:s3], [sflag:s2] =	dma.local @!p0 [hbm:s0], s1  }
0xc6: {  	s0 =	simm.s32 @!p0 $0xB  }
0xc7: {  	_ =	swait.ge @!p0 [sflag:s0], s1  }
0xc8: {  	s1 =	ssub.s32 @!p0 $0x0, s1;
	[sflag:s0] =	ssyncset.done @!p0 $0x0  }
0xc9: {  	[sflag:s0] =	ssyncadd.s32 @!p0 s1  }
0xca: {  	[bflag:$0x3] =	sbarrier.arrive $0xFFFF  }
0xcb: {  	_ =	shalt  }

</sc_bundles>
